<compile_context>
chip_gen: v7x
topology: tpu7x:2x2x1
jax: 0.10.2.dev20260603
libtpu: 0.0.44.dev20260713+nightly
codegen_flags: <defaults>
</compile_context>

<pallas_src>
import jax
import jax.numpy as jnp
from jax.experimental import pallas as pl
from jax.experimental.pallas import tpu as pltpu
from jax.experimental.pallas import tpu_sc as plsc

_BM = 1024


def _tc_encode_body(x_ref, wb_ref, bb_ref, wh_ref, bh_ref, st_ref,
                    ind_ref, sn_ref, wb_scr, wh_scr, snt_scr, sn_scr):
    i = pl.program_id(0)
    bf = jnp.bfloat16

    @pl.when(i == 0)
    def _():
        st = st_ref[...]
        n = jnp.sqrt(jnp.sum(st * st, axis=1, keepdims=True))
        sn = st / jnp.maximum(n, 1e-12)
        sn_scr[...] = sn
        sn_ref[...] = sn
        snt_scr[...] = sn.astype(bf).T
        wb_scr[...] = wb_ref[...].astype(bf)
        wh_scr[...] = wh_ref[...].astype(bf)

    h = jnp.dot(x_ref[...].astype(bf), wb_scr[...],
                preferred_element_type=jnp.float32)
    h = jnp.maximum(h + bb_ref[...], 0.0)
    z = jnp.dot(h.astype(bf), wh_scr[...],
                preferred_element_type=jnp.float32)
    z = z + bh_ref[...]
    zn = z / jnp.maximum(jnp.sqrt(jnp.sum(z * z, axis=1, keepdims=True)),
                         1e-12)
    s = jnp.dot(zn.astype(bf), snt_scr[...],
                preferred_element_type=jnp.float32)
    ind = jnp.argmax(s, axis=1)
    ind_ref[0, 0, :] = ind.astype(jnp.int32)


def kernel(x, W_body, b_body, W_head, b_head, abs_states):
    bsz, din = x.shape
    feat = W_body.shape[1]
    d = W_head.shape[1]
    k = abs_states.shape[0]
    bm = _BM
    nb = bsz // bm

    bb2 = b_body.reshape(1, feat)
    bh2 = b_head.reshape(1, d)

    ind3, sn = pl.pallas_call(
        _tc_encode_body,
        grid=(nb,),
        in_specs=[
            pl.BlockSpec((bm, din), lambda i: (i, 0)),
            pl.BlockSpec((din, feat), lambda i: (0, 0)),
            pl.BlockSpec((1, feat), lambda i: (0, 0)),
            pl.BlockSpec((feat, d), lambda i: (0, 0)),
            pl.BlockSpec((1, d), lambda i: (0, 0)),
            pl.BlockSpec((k, d), lambda i: (0, 0)),
        ],
        out_specs=[
            pl.BlockSpec((1, 1, bm), lambda i: (i, 0, 0)),
            pl.BlockSpec((k, d), lambda i: (0, 0)),
        ],
        out_shape=[
            jax.ShapeDtypeStruct((nb, 1, bm), jnp.int32),
            jax.ShapeDtypeStruct((k, d), jnp.float32),
        ],
        scratch_shapes=[
            pltpu.VMEM((din, feat), jnp.bfloat16),
            pltpu.VMEM((feat, d), jnp.bfloat16),
            pltpu.VMEM((d, k), jnp.bfloat16),
            pltpu.VMEM((k, d), jnp.float32),
        ],
    )(x, W_body, bb2, W_head, bh2, abs_states)

    ind = ind3.reshape(1, bsz)

    vector_mesh = plsc.VectorSubcoreMesh(
        core_axis_name="core", subcore_axis_name="subcore")
    n_tiles = vector_mesh.num_cores * vector_mesh.num_subcores
    per = bsz // n_tiles

    @pl.kernel(out_type=jax.ShapeDtypeStruct((bsz, d), jnp.float32),
               mesh=vector_mesh,
               scratch_types=[pltpu.VMEM((per,), jnp.int32),
                              pltpu.VMEM((per, d), jnp.float32),
                              pltpu.SemaphoreType.DMA])
    def _sc_gather(sn_hbm, i_hbm, o_hbm, idx_v, rows_v, sem):
        c = jax.lax.axis_index("core")
        sc = jax.lax.axis_index("subcore")
        base = (c * vector_mesh.num_subcores + sc) * per
        pltpu.sync_copy(i_hbm.at[0, pl.ds(base, per)], idx_v)
        pltpu.async_copy(sn_hbm.at[idx_v], rows_v, sem).wait()
        pltpu.sync_copy(rows_v, o_hbm.at[pl.ds(base, per)])

    return _sc_gather(sn, ind)

# --- scband reference (transcript-rebuilt; emitter-appended) ---
"""Pipeline reference for scband-abstracted-state-encoder-515396076050 (READ-ONLY COPY).

The authoritative reference and input builder live on the scoring server;
editing this copy changes nothing except your own understanding.
"""

import jax, jax.numpy as jnp
import numpy as np

B, DIN, FEAT, D, K = 4096, 512, 512, 256, 1024
TEMPERATURE = 0.1


def _normalize(a):
    # F.normalize: x / max(||x||_2, eps)
    n = jnp.linalg.norm(a, axis=-1, keepdims=True)
    return a / jnp.clip(n, 1e-12, None)


def _cross_entropy(logits, targets):
    # torch F.cross_entropy treats input as logits (even if they are softmax outputs)
    logp = jax.nn.log_softmax(logits, axis=1)
    picked = jnp.take_along_axis(logp, targets[:, None], axis=1)[:, 0]
    return -jnp.mean(picked)


def setup_inputs(seed: int = 0) -> dict:
    key = jax.random.key(seed)
    ks = jax.random.split(key, 5)
    x = jax.random.normal(ks[0], (B, DIN), dtype=jnp.float32)
    # body: simple linear feature extractor with feature_dim=FEAT
    W_body = jax.random.normal(ks[1], (DIN, FEAT), dtype=jnp.float32) / np.sqrt(DIN)
    b_body = jnp.zeros((FEAT,), dtype=jnp.float32)
    # fc_head: feature_dim -> embed_dim (output_dim == embed_dim)
    W_head = jax.random.normal(ks[2], (FEAT, D), dtype=jnp.float32) / np.sqrt(FEAT)
    b_head = jnp.zeros((D,), dtype=jnp.float32)
    # abstract state codebook [n_embed, embed_dim]
    abs_states = jax.random.normal(ks[3], (K, D), dtype=jnp.float32)
    return {"x": x, "W_body": W_body, "b_body": b_body, "W_head": W_head, "b_head": b_head, "abs_states": abs_states}


def reference(x, W_body, b_body, W_head, b_head, abs_states):
    # z = fc_head(relu(body(x)))
    h = x @ W_body + b_body
    h = jnp.maximum(h, 0.0)
    z = h @ W_head + b_head
    normalized_states = _normalize(abs_states)
    normalized_z = _normalize(z)
    # quantization_score = softmax(normalized_z @ normalized_states^T / T)
    quantization_score = jax.nn.softmax(normalized_z @ normalized_states.T / TEMPERATURE, axis=1)
    abs_ind = jnp.argmax(quantization_score, axis=1)
    # abs_state = embedding(abs_ind, normalized_states)
    abs_state = jnp.take(normalized_states, abs_ind, axis=0)
    # auxiliary losses (stored as self._loss in torch; computed here for faithfulness)
    compatible_scores = jax.nn.softmax(normalized_z @ abs_state.T / TEMPERATURE, axis=1)
    abs_loss = _cross_entropy(compatible_scores, jnp.arange(compatible_scores.shape[0]))
    abs_sim = jax.nn.softmax(normalized_states @ normalized_states.T / TEMPERATURE, axis=1)
    abs_loss = abs_loss + _cross_entropy(abs_sim, jnp.arange(abs_sim.shape[0]))
    _ = abs_loss  # side-effect loss; forward returns abs_state
    return abs_state

if __name__ == "__main__":
    import jax
    _d = setup_inputs()
    print(jax.jit(kernel)(*tuple(_d.values())))

</pallas_src>

<mosaic_0001>
#map = affine_map<(d0, d1) -> (0, 0)>
module attributes {stable_mosaic.version = 14 : i64} {
  func.func @_sc_gather(%arg0: i32, %arg1: i32, %arg2: memref<1024x256xf32, #tpu.memory_space<hbm>>, %arg3: memref<1x4096xi32, #tpu.memory_space<hbm>>, %arg4: memref<4096x256xf32, #tpu.memory_space<hbm>>, %arg5: memref<128xi32, #tpu.memory_space<vmem>>, %arg6: memref<128x256xf32, #tpu.memory_space<vmem>>, %arg7: memref<!tpu.dma_semaphore, #tpu.memory_space<semaphore_mem>>) attributes {dimension_semantics = [#tpu.dimension_semantics<core_parallel>, #tpu.dimension_semantics<subcore_parallel>], iteration_bounds = array<i64: 2, 16>, scalar_prefetch = 0 : i64, scratch_operands = 3 : i64, tpu.core_type = #tpu.core_type<sc_vector_subcore>, window_params = [{transform_indices = #map}, {transform_indices = #map}, {transform_indices = #map}]} {
    %mul3A = arith.constant 16 : i32
    %mul3A_0 = arith.muli %arg0, %mul3A : i32
    %add3A = arith.addi %mul3A_0, %arg1 : i32
    %mul3A_1 = arith.constant 128 : i32
    %mul3A_2 = arith.muli %add3A, %mul3A_1 : i32
    %run_scoped3A = arith.constant 0 : i32
    "tpu.region"() ({
      %run_scoped3A_7 = tpu.sem_alloc : memref<!tpu.dma_semaphore, #tpu.memory_space<semaphore_mem>>
      %dma_start3A_8 = tpu.memref_slice %arg3[%run_scoped3A, %mul3A_2] : memref<1x4096xi32, #tpu.memory_space<hbm>> -> memref<1x128xi32, #tpu.memory_space<hbm>>
      %dma_start3A_9 = tpu.memref_squeeze %dma_start3A_8 : memref<1x128xi32, #tpu.memory_space<hbm>> -> memref<128xi32, #tpu.memory_space<hbm>>
      %dma_start3A_10 = tpu.memref_slice %arg3[%run_scoped3A, %mul3A_2] : memref<1x4096xi32, #tpu.memory_space<hbm>> -> memref<1x128xi32, #tpu.memory_space<hbm>>
      %dma_start3A_11 = tpu.memref_squeeze %dma_start3A_10 : memref<1x128xi32, #tpu.memory_space<hbm>> -> memref<128xi32, #tpu.memory_space<hbm>>
      tpu.enqueue_dma source(%dma_start3A_11 : memref<128xi32, #tpu.memory_space<hbm>>) target(%arg5 : memref<128xi32, #tpu.memory_space<vmem>>) target_semaphore(%run_scoped3A_7 : memref<!tpu.dma_semaphore, #tpu.memory_space<semaphore_mem>>)
      %dma_wait3A_12 = tpu.memref_slice %arg3[%run_scoped3A, %mul3A_2] : memref<1x4096xi32, #tpu.memory_space<hbm>> -> memref<1x128xi32, #tpu.memory_space<hbm>>
      %dma_wait3A_13 = tpu.memref_squeeze %dma_wait3A_12 : memref<1x128xi32, #tpu.memory_space<hbm>> -> memref<128xi32, #tpu.memory_space<hbm>>
      %dma_wait3A_14 = tpu.memref_slice %arg3[%run_scoped3A, %mul3A_2] : memref<1x4096xi32, #tpu.memory_space<hbm>> -> memref<1x128xi32, #tpu.memory_space<hbm>>
      %dma_wait3A_15 = tpu.memref_squeeze %dma_wait3A_14 : memref<1x128xi32, #tpu.memory_space<hbm>> -> memref<128xi32, #tpu.memory_space<hbm>>
      tpu.wait_dma2 semaphore(%run_scoped3A_7 : memref<!tpu.dma_semaphore, #tpu.memory_space<semaphore_mem>>) src(%dma_wait3A_15 : memref<128xi32, #tpu.memory_space<hbm>>) dst(%arg5 : memref<128xi32, #tpu.memory_space<vmem>>)
      tpu.yield
    }) : () -> ()
    %dma_start3A = arith.constant 0 : i32
    %dma_start3A_3 = arith.constant 0 : i32
    %dma_start3A_4 = tpu.memref_slice %arg2[%dma_start3A, %dma_start3A_3] : memref<1024x256xf32, #tpu.memory_space<hbm>> -> memref<1024x256xf32, #tpu.memory_space<hbm>>
    tpu.enqueue_indirect_dma source(%dma_start3A_4 : memref<1024x256xf32, #tpu.memory_space<hbm>>) target(%arg6 : memref<128x256xf32, #tpu.memory_space<vmem>>) offsets(%arg5 : memref<128xi32, #tpu.memory_space<vmem>>) semaphore(%arg7 : memref<!tpu.dma_semaphore, #tpu.memory_space<semaphore_mem>>)
    %dma_wait3A = arith.constant 0 : i32
    %dma_wait3A_5 = arith.constant 0 : i32
    %dma_wait3A_6 = tpu.memref_slice %arg2[%dma_wait3A, %dma_wait3A_5] : memref<1024x256xf32, #tpu.memory_space<hbm>> -> memref<1024x256xf32, #tpu.memory_space<hbm>>
    tpu.wait_indirect_dma semaphore(%arg7 : memref<!tpu.dma_semaphore, #tpu.memory_space<semaphore_mem>>) src(%dma_wait3A_6 : memref<1024x256xf32, #tpu.memory_space<hbm>>) dst(%arg6 : memref<128x256xf32, #tpu.memory_space<vmem>>)
    "tpu.region"() ({
      %run_scoped3A_7 = tpu.sem_alloc : memref<!tpu.dma_semaphore, #tpu.memory_space<semaphore_mem>>
      %dma_start3A_8 = arith.constant 0 : i32
      %dma_start3A_9 = tpu.memref_slice %arg4[%mul3A_2, %dma_start3A_8] : memref<4096x256xf32, #tpu.memory_space<hbm>> -> memref<128x256xf32, #tpu.memory_space<hbm>>
      %dma_start3A_10 = arith.constant 0 : i32
      %dma_start3A_11 = tpu.memref_slice %arg4[%mul3A_2, %dma_start3A_10] : memref<4096x256xf32, #tpu.memory_space<hbm>> -> memref<128x256xf32, #tpu.memory_space<hbm>>
      tpu.enqueue_dma source(%arg6 : memref<128x256xf32, #tpu.memory_space<vmem>>) target(%dma_start3A_11 : memref<128x256xf32, #tpu.memory_space<hbm>>) target_semaphore(%run_scoped3A_7 : memref<!tpu.dma_semaphore, #tpu.memory_space<semaphore_mem>>)
      %dma_wait3A_12 = arith.constant 0 : i32
      %dma_wait3A_13 = tpu.memref_slice %arg4[%mul3A_2, %dma_wait3A_12] : memref<4096x256xf32, #tpu.memory_space<hbm>> -> memref<128x256xf32, #tpu.memory_space<hbm>>
      %dma_wait3A_14 = arith.constant 0 : i32
      %dma_wait3A_15 = tpu.memref_slice %arg4[%mul3A_2, %dma_wait3A_14] : memref<4096x256xf32, #tpu.memory_space<hbm>> -> memref<128x256xf32, #tpu.memory_space<hbm>>
      tpu.wait_dma2 semaphore(%run_scoped3A_7 : memref<!tpu.dma_semaphore, #tpu.memory_space<semaphore_mem>>) src(%arg6 : memref<128x256xf32, #tpu.memory_space<vmem>>) dst(%dma_wait3A_15 : memref<128x256xf32, #tpu.memory_space<hbm>>)
      tpu.yield
    }) : () -> ()
    return
  }
}

module attributes {stable_mosaic.version = 14 : i64} {
  func.func @_tc_encode_body(%arg0: i32, %arg1: memref<1024x512xf32, #tpu.memory_space<vmem>>, %arg2: memref<512x512xf32, #tpu.memory_space<vmem>>, %arg3: memref<1x512xf32, #tpu.memory_space<vmem>>, %arg4: memref<512x256xf32, #tpu.memory_space<vmem>>, %arg5: memref<1x256xf32, #tpu.memory_space<vmem>>, %arg6: memref<1024x256xf32, #tpu.memory_space<vmem>>, %arg7: memref<1x1x1024xi32, #tpu.memory_space<vmem>>, %arg8: memref<1024x256xf32, #tpu.memory_space<vmem>>, %arg9: memref<512x512xbf16, #tpu.memory_space<vmem>>, %arg10: memref<512x256xbf16, #tpu.memory_space<vmem>>, %arg11: memref<256x1024xbf16, #tpu.memory_space<vmem>>, %arg12: memref<1024x256xf32, #tpu.memory_space<vmem>>) attributes {dimension_semantics = [#tpu.dimension_semantics<arbitrary>], iteration_bounds = array<i64: 4>, scalar_prefetch = 0 : i64, scratch_operands = 4 : i64, tpu.core_type = #tpu.core_type<tc>, window_params = [{transform_indices = @transform_0, window_bounds = array<i64: 1024, 512>}, {pipeline_mode = #tpu.pipeline_mode<synchronous>, transform_indices = @transform_1, window_bounds = array<i64: 512, 512>}, {pipeline_mode = #tpu.pipeline_mode<synchronous>, transform_indices = @transform_2, window_bounds = array<i64: 1, 512>}, {pipeline_mode = #tpu.pipeline_mode<synchronous>, transform_indices = @transform_3, window_bounds = array<i64: 512, 256>}, {pipeline_mode = #tpu.pipeline_mode<synchronous>, transform_indices = @transform_4, window_bounds = array<i64: 1, 256>}, {pipeline_mode = #tpu.pipeline_mode<synchronous>, transform_indices = @transform_5, window_bounds = array<i64: 1024, 256>}, {transform_indices = @transform_6, window_bounds = array<i64: 1, 1, 1024>}, {pipeline_mode = #tpu.pipeline_mode<synchronous>, transform_indices = @transform_7, window_bounds = array<i64: 1024, 256>}]} {
    %eq3A = arith.constant 0 : i32
    %eq3A_0 = arith.cmpi eq, %arg0, %eq3A : i32
    %convert_element_type3A = arith.extui %eq3A_0 : i1 to i32
    %cond3A = arith.constant 0 : i32
    %cond3A_1 = arith.cmpi ne, %convert_element_type3A, %cond3A : i32
    scf.if %cond3A_1 {
      %get3A_42 = arith.constant 0 : index
      %get3A_43 = arith.constant 0 : index
      %get3A_44 = vector.load %arg6[%get3A_42, %get3A_43] : memref<1024x256xf32, #tpu.memory_space<vmem>>, vector<1024x256xf32>
      %mul3A_45 = arith.mulf %get3A_44, %get3A_44 : vector<1024x256xf32>
      %reduce_sum3A_46 = arith.constant dense<0.000000e+00> : vector<1024xf32>
      %reduce_sum3A_47 = vector.multi_reduction <add>, %mul3A_45, %reduce_sum3A_46 [1] : vector<1024x256xf32> to vector<1024xf32>
      %broadcast_in_dim3A_48 = vector.shape_cast %reduce_sum3A_47 : vector<1024xf32> to vector<1024x1xf32>
      %sqrt3A_49 = math.sqrt %broadcast_in_dim3A_48 : vector<1024x1xf32>
      %max3A_50 = arith.constant 9.99999996E-13 : f32
      %max3A_51 = vector.broadcast %max3A_50 : f32 to vector<1024x1xf32>
      %max3A_52 = arith.maximumf %sqrt3A_49, %max3A_51 : vector<1024x1xf32>
      %div3A_53 = vector.broadcast %max3A_52 : vector<1024x1xf32> to vector<1024x256xf32>
      %div3A_54 = arith.divf %get3A_44, %div3A_53 : vector<1024x256xf32>
      %swap3A_55 = arith.constant 0 : index
      %swap3A_56 = arith.constant 0 : index
      %swap3A_57 = vector.load %arg12[%swap3A_55, %swap3A_56] : memref<1024x256xf32, #tpu.memory_space<vmem>>, vector<1024x256xf32>
      tpu.vector_store %arg12[%swap3A_55, %swap3A_56], %div3A_54 {strides = array<i32>} : memref<1024x256xf32, #tpu.memory_space<vmem>>, vector<1024x256xf32>,
      %swap3A_58 = arith.constant 0 : index
      %swap3A_59 = arith.constant 0 : index
      %swap3A_60 = vector.load %arg8[%swap3A_58, %swap3A_59] : memref<1024x256xf32, #tpu.memory_space<vmem>>, vector<1024x256xf32>
      tpu.vector_store %arg8[%swap3A_58, %swap3A_59], %div3A_54 {strides = array<i32>} : memref<1024x256xf32, #tpu.memory_space<vmem>>, vector<1024x256xf32>,
      %convert_element_type3A_61 = arith.truncf %div3A_54 : vector<1024x256xf32> to vector<1024x256xbf16>
      %transpose3A = tpu.transpose %convert_element_type3A_61, [1, 0] : vector<1024x256xbf16> -> vector<256x1024xbf16>
      %swap3A_62 = arith.constant 0 : index
      %swap3A_63 = arith.constant 0 : index
      %swap3A_64 = vector.load %arg11[%swap3A_62, %swap3A_63] : memref<256x1024xbf16, #tpu.memory_space<vmem>>, vector<256x1024xbf16>
      tpu.vector_store %arg11[%swap3A_62, %swap3A_63], %transpose3A {strides = array<i32>} : memref<256x1024xbf16, #tpu.memory_space<vmem>>, vector<256x1024xbf16>,
      %get3A_65 = arith.constant 0 : index
      %get3A_66 = arith.constant 0 : index
      %get3A_67 = vector.load %arg2[%get3A_65, %get3A_66] : memref<512x512xf32, #tpu.memory_space<vmem>>, vector<512x512xf32>
      %convert_element_type3A_68 = arith.truncf %get3A_67 : vector<512x512xf32> to vector<512x512xbf16>
      %swap3A_69 = arith.constant 0 : index
      %swap3A_70 = arith.constant 0 : index
      %swap3A_71 = vector.load %arg9[%swap3A_69, %swap3A_70] : memref<512x512xbf16, #tpu.memory_space<vmem>>, vector<512x512xbf16>
      tpu.vector_store %arg9[%swap3A_69, %swap3A_70], %convert_element_type3A_68 {strides = array<i32>} : memref<512x512xbf16, #tpu.memory_space<vmem>>, vector<512x512xbf16>,
      %get3A_72 = arith.constant 0 : index
      %get3A_73 = arith.constant 0 : index
      %get3A_74 = vector.load %arg4[%get3A_72, %get3A_73] : memref<512x256xf32, #tpu.memory_space<vmem>>, vector<512x256xf32>
      %convert_element_type3A_75 = arith.truncf %get3A_74 : vector<512x256xf32> to vector<512x256xbf16>
      %swap3A_76 = arith.constant 0 : index
      %swap3A_77 = arith.constant 0 : index
      %swap3A_78 = vector.load %arg10[%swap3A_76, %swap3A_77] : memref<512x256xbf16, #tpu.memory_space<vmem>>, vector<512x256xbf16>
      tpu.vector_store %arg10[%swap3A_76, %swap3A_77], %convert_element_type3A_75 {strides = array<i32>} : memref<512x256xbf16, #tpu.memory_space<vmem>>, vector<512x256xbf16>,
    } else {
    }
    %get3A = arith.constant 0 : index
    %get3A_2 = arith.constant 0 : index
    %get3A_3 = vector.load %arg1[%get3A, %get3A_2] : memref<1024x512xf32, #tpu.memory_space<vmem>>, vector<1024x512xf32>
    %convert_element_type3A_4 = arith.truncf %get3A_3 : vector<1024x512xf32> to vector<1024x512xbf16>
    %get3A_5 = arith.constant 0 : index
    %get3A_6 = arith.constant 0 : index
    %get3A_7 = vector.load %arg9[%get3A_5, %get3A_6] : memref<512x512xbf16, #tpu.memory_space<vmem>>, vector<512x512xbf16>
    %dot_general3A = arith.constant dense<0.000000e+00> : vector<1024x512xf32>
    %dot_general3A_8 = tpu.matmul %convert_element_type3A_4, %get3A_7, %dot_general3A {dimension_numbers = #tpu.dot_dimension_numbers<[1], [0], [0], [1], [0, 0, 1, 1], [], []>, transpose_lhs_hint = false} : vector<1024x512xbf16>, vector<512x512xbf16>, vector<1024x512xf32> -> vector<1024x512xf32>
    %get3A_9 = arith.constant 0 : index
    %get3A_10 = arith.constant 0 : index
    %get3A_11 = vector.load %arg3[%get3A_9, %get3A_10] : memref<1x512xf32, #tpu.memory_space<vmem>>, vector<1x512xf32>
    %add3A = vector.broadcast %get3A_11 : vector<1x512xf32> to vector<1024x512xf32>
    %add3A_12 = arith.addf %dot_general3A_8, %add3A : vector<1024x512xf32>
    %max3A = arith.constant 0.000000e+00 : f32
    %max3A_13 = vector.broadcast %max3A : f32 to vector<1024x512xf32>
    %max3A_14 = arith.maximumf %add3A_12, %max3A_13 : vector<1024x512xf32>
    %convert_element_type3A_15 = arith.truncf %max3A_14 : vector<1024x512xf32> to vector<1024x512xbf16>
    %get3A_16 = arith.constant 0 : index
    %get3A_17 = arith.constant 0 : index
    %get3A_18 = vector.load %arg10[%get3A_16, %get3A_17] : memref<512x256xbf16, #tpu.memory_space<vmem>>, vector<512x256xbf16>
    %dot_general3A_19 = arith.constant dense<0.000000e+00> : vector<1024x256xf32>
    %dot_general3A_20 = tpu.matmul %convert_element_type3A_15, %get3A_18, %dot_general3A_19 {dimension_numbers = #tpu.dot_dimension_numbers<[1], [0], [0], [1], [0, 0, 1, 1], [], []>, transpose_lhs_hint = false} : vector<1024x512xbf16>, vector<512x256xbf16>, vector<1024x256xf32> -> vector<1024x256xf32>
    %get3A_21 = arith.constant 0 : index
    %get3A_22 = arith.constant 0 : index
    %get3A_23 = vector.load %arg5[%get3A_21, %get3A_22] : memref<1x256xf32, #tpu.memory_space<vmem>>, vector<1x256xf32>
    %add3A_24 = vector.broadcast %get3A_23 : vector<1x256xf32> to vector<1024x256xf32>
    %add3A_25 = arith.addf %dot_general3A_20, %add3A_24 : vector<1024x256xf32>
    %mul3A = arith.mulf %add3A_25, %add3A_25 : vector<1024x256xf32>
    %reduce_sum3A = arith.constant dense<0.000000e+00> : vector<1024xf32>
    %reduce_sum3A_26 = vector.multi_reduction <add>, %mul3A, %reduce_sum3A [1] : vector<1024x256xf32> to vector<1024xf32>
    %broadcast_in_dim3A = vector.shape_cast %reduce_sum3A_26 : vector<1024xf32> to vector<1024x1xf32>
    %sqrt3A = math.sqrt %broadcast_in_dim3A : vector<1024x1xf32>
    %max3A_27 = arith.constant 9.99999996E-13 : f32
    %max3A_28 = vector.broadcast %max3A_27 : f32 to vector<1024x1xf32>
    %max3A_29 = arith.maximumf %sqrt3A, %max3A_28 : vector<1024x1xf32>
    %div3A = vector.broadcast %max3A_29 : vector<1024x1xf32> to vector<1024x256xf32>
    %div3A_30 = arith.divf %add3A_25, %div3A : vector<1024x256xf32>
    %convert_element_type3A_31 = arith.truncf %div3A_30 : vector<1024x256xf32> to vector<1024x256xbf16>
    %get3A_32 = arith.constant 0 : index
    %get3A_33 = arith.constant 0 : index
    %get3A_34 = vector.load %arg11[%get3A_32, %get3A_33] : memref<256x1024xbf16, #tpu.memory_space<vmem>>, vector<256x1024xbf16>
    %dot_general3A_35 = arith.constant dense<0.000000e+00> : vector<1024x1024xf32>
    %dot_general3A_36 = tpu.matmul %convert_element_type3A_31, %get3A_34, %dot_general3A_35 {dimension_numbers = #tpu.dot_dimension_numbers<[1], [0], [0], [1], [0, 0, 1, 1], [], []>, transpose_lhs_hint = false} : vector<1024x256xbf16>, vector<256x1024xbf16>, vector<1024x1024xf32> -> vector<1024x1024xf32>
    %argmax3A = tpu.reduce_index %dot_general3A_36 {axis = 1 : i32, kind = #tpu.reduction_kind<arg_max>} : vector<1024x1024xf32> -> vector<1024xi32>
    %swap3A = arith.constant 0 : index
    %swap3A_37 = arith.constant 0 : index
    %swap3A_38 = arith.constant 0 : index
    %swap3A_39 = vector.load %arg7[%swap3A, %swap3A_37, %swap3A_38] : memref<1x1x1024xi32, #tpu.memory_space<vmem>>, vector<1x1x1024xi32>
    %swap3A_40 = vector.shape_cast %swap3A_39 : vector<1x1x1024xi32> to vector<1024xi32>
    %swap3A_41 = vector.shape_cast %argmax3A : vector<1024xi32> to vector<1x1x1024xi32>
    tpu.vector_store %arg7[%swap3A, %swap3A_37, %swap3A_38], %swap3A_41 {strides = array<i32>} : memref<1x1x1024xi32, #tpu.memory_space<vmem>>, vector<1x1x1024xi32>,
    return
  }
  func.func @transform_0(%arg0: i32) -> (i32, i32) {
    %c0_i32 = arith.constant 0 : i32
    %c0_i32_0 = arith.constant 0 : i32
    return %arg0, %c0_i32 : i32, i32
  }
  func.func @transform_1(%arg0: i32) -> (i32, i32) {
    %c0_i32 = arith.constant 0 : i32
    %c0_i32_0 = arith.constant 0 : i32
    %c0_i32_1 = arith.constant 0 : i32
    return %c0_i32, %c0_i32_0 : i32, i32
  }
  func.func @transform_2(%arg0: i32) -> (i32, i32) {
    %c0_i32 = arith.constant 0 : i32
    %c0_i32_0 = arith.constant 0 : i32
    %c0_i32_1 = arith.constant 0 : i32
    return %c0_i32, %c0_i32_0 : i32, i32
  }
  func.func @transform_3(%arg0: i32) -> (i32, i32) {
    %c0_i32 = arith.constant 0 : i32
    %c0_i32_0 = arith.constant 0 : i32
    %c0_i32_1 = arith.constant 0 : i32
    return %c0_i32, %c0_i32_0 : i32, i32
  }
  func.func @transform_4(%arg0: i32) -> (i32, i32) {
    %c0_i32 = arith.constant 0 : i32
    %c0_i32_0 = arith.constant 0 : i32
    %c0_i32_1 = arith.constant 0 : i32
    return %c0_i32, %c0_i32_0 : i32, i32
  }
  func.func @transform_5(%arg0: i32) -> (i32, i32) {
    %c0_i32 = arith.constant 0 : i32
    %c0_i32_0 = arith.constant 0 : i32
    %c0_i32_1 = arith.constant 0 : i32
    return %c0_i32, %c0_i32_0 : i32, i32
  }
  func.func @transform_6(%arg0: i32) -> (i32, i32, i32) {
    %c0_i32 = arith.constant 0 : i32
    %c0_i32_0 = arith.constant 0 : i32
    %c0_i32_1 = arith.constant 0 : i32
    return %arg0, %c0_i32, %c0_i32_0 : i32, i32, i32
  }
  func.func @transform_7(%arg0: i32) -> (i32, i32) {
    %c0_i32 = arith.constant 0 : i32
    %c0_i32_0 = arith.constant 0 : i32
    %c0_i32_1 = arith.constant 0 : i32
    return %c0_i32, %c0_i32_0 : i32, i32
  }
}

</mosaic_0001>

<sc_bundles>
// kernel: kernel.4.cloned.1.call-start
scs
__scs_entry_jumppad:
0x0: {  	(pc) =	sbr.rel $0x88, $3  }
0x1: {  	(tag) =	ssettag $0x0;
	lr =	simm.s32 $0x1  }
0x2: {  	[smem:$0x3F9B] =	sst lr;
	_ =	strace $0xD0000000  }
0x3: {  	_ = 	snop  }
0x4: {  	_ = 	snop  }
0x5: {  	_ = 	snop  }
0x6: {  	_ = 	snop  }
0x7: {  	_ = 	snop  }
__scs_overlays_trampoline_lowered:
0x8: {  	[smem:$0x3FAA] =	sst s0  }
0x9: {  	[smem:$0x3FAB] =	sst s1  }
0xa: {  	[smem:$0x3FAC] =	sst s2  }
0xb: {  	[smem:$0x3FAD] =	sst s3  }
0xc: {  	[smem:$0x3FAE] =	sst s4  }
0xd: {  	[smem:$0x3FAF] =	sst s5  }
0xe: {  	[smem:$0x3FB0] =	sst s6  }
0xf: {  	[smem:$0x3FB1] =	sst s7  }
0x10: {  	[smem:$0x3FB2] =	sst s8  }
0x11: {  	[smem:$0x3FB3] =	sst s9;
	s0 =	simm.s32 @!p0 $0x0  }
0x12: {  	s1 =	sld [smem:$0x3F99];
	s0 =	simm.s32 @p0 $0x1  }
0x13: {  	[smem:$0x3FB4] =	sst s0;
	s0 =	simm.s32 @!p1 $0x0  }
0x14: {  	s2 =	sld [smem:$0x3F98];
	s0 =	simm.s32 @p1 $0x1  }
0x15: {  	[smem:$0x3FB5] =	sst s0;
	s0 =	simm.s32 @!p2 $0x0  }
0x16: {  	s3 =	sld [smem:$0x3FDB];
	s0 =	simm.s32 @p2 $0x1  }
0x17: {  	s4 =	simm.s32 $0x1BF5;
	[smem:$0x3FB7] =	sst s0  }
0x18: {  	s0 =	sld [smem:$0x3F9A];
	_ =	swait.ge [sflag:s4], $0x0  }
0x19: {  	s7 =	sld [smem:$0x3F9B]  }
0x1a: {  	s8 =	sadd.s32 $0xFFFFE003, lr  }
0x1b: {  	s9 =	sadd.s32 $0xFFFFFEF7, lr;
	s5 =	simm.s32 $0xFFFFFFFF;
	p2 =	slt.u32 s8, $0xFFFFF086  }
0x1c: {  	p1 =	slt.u32 s9, $0xF7A;
	s5 =	simm.s32 @!p2 $0x0  }
0x1d: {  	s5 =	simm.s32 @p1 $0x1;
	p0 =	seq.s32 s7, s2  }
0x1e: {  	s7 =	smul.u32 @!p0 $0xF7A, s2;
	p2 =	seq.s32 @!p0 s5, $0x0  }
0x1f: {  	s9 =	smul.u32 $0xF7A, s1;
	s8 =	simm.s32 @!p0 $0x1BF5;
	p2 =	por !p2, p0  }
0x20: {  	[sflag:s8] =	ssyncset.s32 @!p0 $0xFFFFF086;
	s6 =	sadd.s32 @!p0 s3, s7;
	s7 =	simm.s32 @!p0 $0x108  }
0x21: {  	s3 =	sadd.s32 s3, s9;
	s6 =	sadd.s32 @!p0 $0x88, s6;
	s7 =	simm.s32 @p2 $0x1082  }
0x22: {  	[simem:s7], [sflag:s8] =	dma.local @!p0 [hbm:s6], $0xF7A  }
0x23: {  	s9 =	sor.u32 $0xD0000000, s2;
	s6 =	simm.s32 $0x108;
	_ =	swait.ge @!p0 [sflag:s8], $0x0  }
0x24: {  	s3 =	sadd.s32 $0x88, s3;
	s6 =	simm.s32 @!p1 $0x1082;
	[sflag:s4] =	ssyncset.s32 $0xFFFFF086  }
0x25: {  	[simem:s6], [sflag:s4] =	dma.local [hbm:s3], $0xF7A  }
0x26: {  	[smem:$0x3F9B] =	sst s1;
	(tag) =	ssettag s2;
	_ =	strace s9  }
0x27: {  	s1 =	sld [smem:$0x3FAB]  }
0x28: {  	s2 =	sld [smem:$0x3FAC]  }
0x29: {  	s4 =	sld [smem:$0x3FAE]  }
0x2a: {  	p0 =	seq.s32 s5, $0x0;
	s5 =	sld [smem:$0x3FAF]  }
0x2b: {  	s6 =	sld [smem:$0x3FB0]  }
0x2c: {  	s7 =	sld [smem:$0x3FB1]  }
0x2d: {  	s3 =	simm.s32 $0x108;
	s8 =	sld [smem:$0x3FB2]  }
0x2e: {  	s3 =	simm.s32 @!p0 $0x1082;
	s9 =	sld [smem:$0x3FB3]  }
0x2f: {  	lr =	sadd.s32 s0, s3;
	s0 =	sld [smem:$0x3FAA]  }
0x30: {  	s3 =	sld [smem:$0x3FAD]  }
0x31: {  	[smem:$0x3FB6] =	sst s10  }
0x32: {  	s10 =	sld [smem:$0x3FB4];
	_ =	sdelay $0x3  }
0x33: {  	p0 =	seq.s32 s10, $0x1;
	s10 =	sld [smem:$0x3FB6];
	_ =	sdelay $0x3  }
0x34: {  	[smem:$0x3FB6] =	sst s10  }
0x35: {  	s10 =	sld [smem:$0x3FB5];
	_ =	sdelay $0x3  }
0x36: {  	p1 =	seq.s32 s10, $0x1;
	s10 =	sld [smem:$0x3FB6];
	_ =	sdelay $0x3  }
0x37: {  	[smem:$0x3FB6] =	sst s10  }
0x38: {  	s10 =	sld [smem:$0x3FB7]  }
0x39: {  	_ = 	snop;
	(pc) =	sbr.ind lr, $3  }
0x3a: {  	_ = 	snop  }
0x3b: {  	_ = 	snop  }
0x3c: {  	p2 =	seq.s32 s10, $0x1;
	s10 =	sld [smem:$0x3FB6]  }
0x3d: {  	_ =	shalt  }
0x3e: {  	_ =	shalt  }
0x3f: {  	_ =	shalt  }
0x40: {  	_ =	shalt  }
0x41: {  	_ =	shalt  }
0x42: {  	_ =	shalt  }
0x43: {  	_ =	shalt  }
0x44: {  	_ =	shalt  }
0x45: {  	_ =	shalt  }
0x46: {  	_ =	shalt  }
0x47: {  	_ =	shalt  }
0x48: {  	_ =	shalt  }
0x49: {  	_ =	shalt  }
0x4a: {  	_ =	shalt  }
0x4b: {  	_ =	shalt  }
0x4c: {  	_ =	shalt  }
0x4d: {  	_ =	shalt  }
0x4e: {  	_ =	shalt  }
0x4f: {  	_ =	shalt  }
0x50: {  	_ =	shalt  }
0x51: {  	_ =	shalt  }
0x52: {  	_ =	shalt  }
0x53: {  	_ =	shalt  }
0x54: {  	_ =	shalt  }
0x55: {  	_ =	shalt  }
0x56: {  	_ =	shalt  }
0x57: {  	_ =	shalt  }
0x58: {  	_ =	shalt  }
0x59: {  	_ =	shalt  }
0x5a: {  	_ =	shalt  }
0x5b: {  	_ =	shalt  }
0x5c: {  	_ =	shalt  }
0x5d: {  	_ =	shalt  }
0x5e: {  	_ =	shalt  }
0x5f: {  	_ =	shalt  }
0x60: {  	_ =	shalt  }
0x61: {  	_ =	shalt  }
0x62: {  	_ =	shalt  }
0x63: {  	_ =	shalt  }
0x64: {  	_ =	shalt  }
0x65: {  	_ =	shalt  }
0x66: {  	_ =	shalt  }
0x67: {  	_ =	shalt  }
0x68: {  	_ =	shalt  }
0x69: {  	_ =	shalt  }
0x6a: {  	_ =	shalt  }
0x6b: {  	_ =	shalt  }
0x6c: {  	_ =	shalt  }
0x6d: {  	_ =	shalt  }
0x6e: {  	_ =	shalt  }
0x6f: {  	_ =	shalt  }
0x70: {  	_ =	shalt  }
0x71: {  	_ =	shalt  }
0x72: {  	_ =	shalt  }
0x73: {  	_ =	shalt  }
0x74: {  	_ =	shalt  }
0x75: {  	_ =	shalt  }
0x76: {  	_ =	shalt  }
0x77: {  	_ =	shalt  }
0x78: {  	_ =	shalt  }
0x79: {  	_ =	shalt  }
0x7a: {  	_ =	shalt  }
0x7b: {  	_ =	shalt  }
0x7c: {  	_ =	shalt  }
0x7d: {  	_ =	shalt  }
0x7e: {  	_ =	shalt  }
0x7f: {  	_ =	shalt  }
0x80: {  	_ =	shalt  }
0x81: {  	_ =	shalt  }
0x82: {  	_ =	shalt  }
0x83: {  	_ =	shalt  }
0x84: {  	_ =	shalt  }
0x85: {  	_ =	shalt  }
0x86: {  	_ =	shalt  }
0x87: {  	_ =	shalt  }
.Lfunc_end0:
.L_simem_size_0:
called_computation_lowered:
.L_overlay_start_0:
0x88: {  	s2 =	sld [smem:$0x3FD9]  }
0x89: {  	s3 =	sld [smem:$0x3FFE];
	_ =	sdelay $0x1  }
0x8a: {  	s1 =	srdreg.scid  }
0x8b: {  	s0 =	sand.u32 $0x1, s1  }
0x8c: {  	s17 =	sshll.u32 s0, $0xA;
	s2 =	sadd.s32 s3, s2  }
0x8d: {  	s2 =	sadd.s32 s2, s17  }
0x8e: {  	[smem:$0x3FC2] =	sst s2  }
0x8f: {  	_ = 	snop  }
0x90: {  	s2 =	sld [smem:$0x3FD0];
	(tm) =	ssettm $0x1  }
0x91: {  	s18 =	sld [smem:$0x3FFB];
	_ =	sdelay $0x3  }
0x92: {  	_ =	strace s18  }
0x93: {  	s3 =	sld [smem:$0x3FFC];
	_ =	sdelay $0x3  }
0x94: {  	_ =	strace s3  }
0x95: {  	s3 =	sld [smem:$0x3FFD];
	_ =	sdelay $0x3  }
0x96: {  	_ =	strace s3  }
0x97: {  	_ =	strace $0x8FFFFFFF  }
0x98: {  	s19 =	sld [smem:$0x3FDB];
	_ =	sdelay $0x1  }
0x99: {  	s4 =	simm.s32 $_scs_section_size  }
0x9a: {  	s5 =	simm.s32 $_size__tile_overlayer_lowered;
	s6 =	simm.s32 $_tile_overlayer_lowered  }
0x9b: {  	s22 =	simm.s32 $0x1BFF;
	s21 =	sshll.u32 s6, $0x1;
	s3 =	sadd.s32 s4, s19  }
0x9c: {  	s7 =	simm.s32 $0x0;
	s20 =	sshll.u32 s5, $0x1;
	s5 =	sadd.s32 s21, s3  }
0x9d: {  	[timem:s7], [sflag:s22] =	dma.local [hbm:s5], s20  }
0x9e: {  	_ =	swait.ge [sflag:s22], s20  }
0x9f: {  	s4 =	ssub.s32 $0x0, s20;
	[sflag:s22] =	ssyncset.done $0x0  }
0xa0: {  	[sflag:s22] =	ssyncadd.s32 s4;
	_ =	sdelay $0x1  }
0xa1: {  	s23 =	simm.s32 $0x1B8B  }
0xa2: {  	_ =	swait.ge [sflag:s23], $0x1  }
0xa3: {  	[sflag:s23] =	ssyncset.done $0x0  }
0xa4: {  	s25 =	simm.s32 $0x1B8E;
	s24 =	sld [smem:$0x3FFE];
	[sflag:s23] =	ssyncadd.s32 $0xFFFFFFFF  }
0xa5: {  	s26 =	simm.s32 $execute0_lowered;
	[smem:$0x3FD2] =	sst s25  }
0xa6: {  	s5 =	sshll.u32 s26, $0x1;
	_ =	strace $0x80000046;
	[dreg:$0x1] =	wrdreg $0xFFFFFFFF  }
0xa7: {  	s28 =	simm.s32 $_size_execute0_lowered;
	s3 =	sadd.s32 s3, s5;
	[dreg:$0x0] =	wrdreg $0x0  }
0xa8: {  	s5 =	sshll.u32 s28, $0x1;
	[dreg:$0x2] =	wrdreg s3  }
0xa9: {  	[dreg:$0x3] =	wrdreg s5  }
0xaa: {  	[dreg:$0x4] =	wrdreg $0xC0  }
0xab: {  	_ =	task [dreg:s7], $0x5FFFF  }
0xac: {  	[dreg:$0x1] =	wrdreg $0xFFFFFFFF  }
0xad: {  	[dreg:$0x0] =	wrdreg $0x60  }
0xae: {  	[dreg:$0x2] =	wrdreg s24  }
0xaf: {  	[dreg:$0x3] =	wrdreg s2  }
0xb0: {  	[dreg:$0x4] =	wrdreg $0x9  }
0xb1: {  	_ =	task.clear_ibuf [dreg:s7], $0x5FFFF;
	_ =	strace $0x90000046  }
0xb2: {  	s29 =	simm.s32 $0x9;
	_ =	strace $0x80000048  }
0xb3: {  	_ =	swait.ge [sflag:s29], $0x1  }
0xb4: {  	[sflag:s29] =	ssyncadd.s32 $0xFFFFFFFF  }
0xb5: {  	_ =	strace $0x90000048  }
0xb6: {  	_ =	sfence  }
0xb7: {  	s30 =	sld [smem:$0x0];
	_ =	sdelay $0x2  }
0xb8: {  	s31 =	sshll.u32 s1, $0xD;
	s1 =	sshrl.u32 s1, $0x2  }
0xb9: {  	s3 =	sand.u32 $0x4000, s31;
	s1 =	sadd.s32 s1, s30  }
0xba: {  	s0 =	sor.u32 s3, s0;
	s1 =	sshll.u32 s1, $0x11  }
0xbb: {  	s0 =	sor.u32 s1, s0  }
0xbc: {  	s0 =	sadd.s32 $0x8F2B, s0  }
0xbd: {  	[sflag:s0] =	ssyncadd.remote.s32 $0x1  }
0xbe: {  	_ =	sfence.sel $0xFFFF  }
0xbf: {  	[dreg:$0x0] =	wrdreg $0xFFFFFFFF;
	(pc) =	sbr.abs _section_cstart, $3  }
0xc0: {  	[dreg:$0x1] =	wrdreg $0xFFFFFFFF  }
0xc1: {  	_ =	task.clear_ibuf [dreg:s7], $0x2FFFF;
	_ =	strace $0x9FFFFFFF  }
0xc2: {  	(tm) =	ssettm $0x7FFFFFFF  }
0xc3: {  	_ =	shalt  }
tec
execute0_lowered:
.L_overlay_start_1:
0x0: {  	(tag) =	ssettag $0x1  }
0x1: {  	s4 =	rddreg [dreg:$0x0]  }
0x2: {  	s5 =	rddreg [dreg:$0x1]  }
0x3: {  	s0 =	rddreg [dreg:$0x2];
	s3 =	srdreg.scid  }
0x4: {  	s2 =	simm.s32 $0x0;
	s1 =	stileid.u32;
	s10 =	simm.s32 $0x1080  }
0x5: {  	s11 =	simm.s32 $0x1880;
	s12 =	simm.s32 $0x2080;
	s13 =	simm.s32 $0x2880  }
0x6: {  	s14 =	simm.s32 $0x3080;
	s15 =	simm.s32 $0x3880;
	s16 =	simm.s32 $0x4080  }
0x7: {  	s17 =	simm.s32 $0x4880;
	s18 =	simm.s32 $0x5080;
	s19 =	simm.s32 $0x5880  }
0x8: {  	s20 =	simm.s32 $0x6080;
	s21 =	simm.s32 $0x6880;
	s22 =	simm.s32 $0x7080  }
0x9: {  	s23 =	simm.s32 $0x7880;
	s24 =	simm.s32 $0x1;
	s3 =	sand.u32 $0x1, s3  }
0xa: {  	[smem:$0x7FF] =	sst s2;
	s7 =	sshll.u32 s1, $0x7;
	s6 =	sshll.u32 s3, $0xB  }
0xb: {  	_ =	strace $0x80000047;
	s31 =	ssub.s32 $0x2, s3;
	s6 =	sor.u32 s7, s6  }
0xc: {  	s3 =	sadd.s32 $0x1600, s4;
	s9 =	sshrl.u32 s31, $0x1;
	s8 =	sshrl.u32 s6, $0x3  }
0xd: {  	v2 =	vlaneseq.u32;
	s7 =	ssub.s32 s31, s9;
	s6 =	sshll.u32 s6, $0x5;
	s9 =	simm.s32 $0x880  }
0xe: {  	vm0 =	vmmov $0xffff;
	v1 =	vshrl.u32 v2, $0x3;
	s4 =	sadd.s32 s8, s4;
	s5 =	sadd.s32 s5, s6;
	s6 =	smax.u32 s7, $0x1  }
0xf: {  	v0 =	vand.u32 $0x7, v2;
	v2 =	vor.u32 $0x8, v2;
	v1 =	vmul.u32 $0x8, v1;
	s7 =	simm.s32 $0x2;
	s8 =	simm.s32 $0x80;
	s4 =	sadd.s32 $0x9600, s4  }
.LBB2_1:
0x10: {  	[tilespmem:s2], [sflag:$0x2] =	stream.linear.gather [hbm4b:s4+s2], $0x80, $0x38;
	[tilespmem:$0x8080] =	vst v63  }
0x11: {  	_ =	swait.ge [sflag:s7], $0x80  }
0x12: {  	[sflag:s7] =	ssyncset.done $0x0  }
0x13: {  	[sflag:s7] =	ssyncadd.s32 $0xFFFFFF80  }
0x14: {  	v3 =	vld [tilespmem:$0x0];
	_ =	sdelay $0x4  }
0x15: {  	v4 =	vshll.u32 v3, $0x1  }
0x16: {  	v3 =	vand.u32 $0x7, v3;
	v4 =	vand.u32 $0xFFFFFFF0, v4  }
0x17: {  	v3 =	vor.u32 v3, v4  }
0x18: {  	v4 =	vperm.xlane v3, v0;
	_ =	sdelay $0x1  }
0x19: {  	v3 =	vperm.xlane v3, v2;
	v4 =	vadd.s32 v1, v4;
	_ =	sdelay $0x1  }
0x1a: {  	v3 =	vadd.s32 v1, v3;
	_ =	sdelay $0x2  }
0x1b: {  	[tilespmem:s8], [sflag:$0x1] =	stream.indirect_vreg.gather [hbm4b:s3+s2], $0x80, v4, vm0, $0xb8;
	[tilespmem:$0x8080] =	vst v63  }
0x1c: {  	_ = 	snop  }
0x1d: {  	[tilespmem:s9], [sflag:$0x1] =	stream.indirect_vreg.gather [hbm4b:s3+s2], $0x80, v3, vm0, $0xb8;
	[tilespmem:$0x8080] =	vst v63  }
0x1e: {  	v3 =	vld [tilespmem:$0x10];
	_ =	sdelay $0x4  }
0x1f: {  	v57 =	vshll.u32 v3, $0x1  }
0x20: {  	v3 =	vand.u32 $0x7, v3;
	v4 =	vand.u32 $0xFFFFFFF0, v57  }
0x21: {  	v3 =	vor.u32 v3, v4  }
0x22: {  	v4 =	vperm.xlane v3, v0;
	_ =	sdelay $0x1  }
0x23: {  	v3 =	vperm.xlane v3, v2;
	v4 =	vadd.s32 v1, v4;
	_ =	sdelay $0x1  }
0x24: {  	v3 =	vadd.s32 v1, v3;
	_ =	sdelay $0x2  }
0x25: {  	[tilespmem:s10], [sflag:$0x1] =	stream.indirect_vreg.gather [hbm4b:s3+s2], $0x80, v4, vm0, $0xb8;
	[tilespmem:$0x8080] =	vst v63  }
0x26: {  	_ = 	snop  }
0x27: {  	[tilespmem:s11], [sflag:$0x1] =	stream.indirect_vreg.gather [hbm4b:s3+s2], $0x80, v3, vm0, $0xb8;
	[tilespmem:$0x8080] =	vst v63  }
0x28: {  	v3 =	vld [tilespmem:$0x20];
	_ =	sdelay $0x4  }
0x29: {  	v58 =	vshll.u32 v3, $0x1  }
0x2a: {  	v3 =	vand.u32 $0x7, v3;
	v4 =	vand.u32 $0xFFFFFFF0, v58  }
0x2b: {  	v3 =	vor.u32 v3, v4  }
0x2c: {  	v4 =	vperm.xlane v3, v0;
	_ =	sdelay $0x1  }
0x2d: {  	v3 =	vperm.xlane v3, v2;
	v4 =	vadd.s32 v1, v4;
	_ =	sdelay $0x1  }
0x2e: {  	v3 =	vadd.s32 v1, v3;
	_ =	sdelay $0x2  }
0x2f: {  	[tilespmem:s12], [sflag:$0x1] =	stream.indirect_vreg.gather [hbm4b:s3+s2], $0x80, v4, vm0, $0xb8;
	[tilespmem:$0x8080] =	vst v63  }
0x30: {  	_ = 	snop  }
0x31: {  	[tilespmem:s13], [sflag:$0x1] =	stream.indirect_vreg.gather [hbm4b:s3+s2], $0x80, v3, vm0, $0xb8;
	[tilespmem:$0x8080] =	vst v63  }
0x32: {  	v3 =	vld [tilespmem:$0x30];
	_ =	sdelay $0x4  }
0x33: {  	v59 =	vshll.u32 v3, $0x1  }
0x34: {  	v3 =	vand.u32 $0x7, v3;
	v4 =	vand.u32 $0xFFFFFFF0, v59  }
0x35: {  	v3 =	vor.u32 v3, v4  }
0x36: {  	v4 =	vperm.xlane v3, v0;
	_ =	sdelay $0x1  }
0x37: {  	v3 =	vperm.xlane v3, v2;
	v4 =	vadd.s32 v1, v4;
	_ =	sdelay $0x1  }
0x38: {  	v3 =	vadd.s32 v1, v3;
	_ =	sdelay $0x2  }
0x39: {  	[tilespmem:s14], [sflag:$0x1] =	stream.indirect_vreg.gather [hbm4b:s3+s2], $0x80, v4, vm0, $0xb8;
	[tilespmem:$0x8080] =	vst v63  }
0x3a: {  	_ = 	snop  }
0x3b: {  	[tilespmem:s15], [sflag:$0x1] =	stream.indirect_vreg.gather [hbm4b:s3+s2], $0x80, v3, vm0, $0xb8;
	[tilespmem:$0x8080] =	vst v63  }
0x3c: {  	v3 =	vld [tilespmem:$0x40];
	_ =	sdelay $0x4  }
0x3d: {  	v60 =	vshll.u32 v3, $0x1  }
0x3e: {  	v3 =	vand.u32 $0x7, v3;
	v4 =	vand.u32 $0xFFFFFFF0, v60  }
0x3f: {  	v3 =	vor.u32 v3, v4  }
0x40: {  	v4 =	vperm.xlane v3, v0;
	_ =	sdelay $0x1  }
0x41: {  	v3 =	vperm.xlane v3, v2;
	v4 =	vadd.s32 v1, v4;
	_ =	sdelay $0x1  }
0x42: {  	v3 =	vadd.s32 v1, v3;
	_ =	sdelay $0x2  }
0x43: {  	[tilespmem:s16], [sflag:$0x1] =	stream.indirect_vreg.gather [hbm4b:s3+s2], $0x80, v4, vm0, $0xb8;
	[tilespmem:$0x8080] =	vst v63  }
0x44: {  	_ = 	snop  }
0x45: {  	[tilespmem:s17], [sflag:$0x1] =	stream.indirect_vreg.gather [hbm4b:s3+s2], $0x80, v3, vm0, $0xb8;
	[tilespmem:$0x8080] =	vst v63  }
0x46: {  	v3 =	vld [tilespmem:$0x50];
	_ =	sdelay $0x4  }
0x47: {  	v61 =	vshll.u32 v3, $0x1  }
0x48: {  	v3 =	vand.u32 $0x7, v3;
	v4 =	vand.u32 $0xFFFFFFF0, v61  }
0x49: {  	v3 =	vor.u32 v3, v4  }
0x4a: {  	v4 =	vperm.xlane v3, v0;
	_ =	sdelay $0x1  }
0x4b: {  	v3 =	vperm.xlane v3, v2;
	v4 =	vadd.s32 v1, v4;
	_ =	sdelay $0x1  }
0x4c: {  	v3 =	vadd.s32 v1, v3;
	_ =	sdelay $0x2  }
0x4d: {  	[tilespmem:s18], [sflag:$0x1] =	stream.indirect_vreg.gather [hbm4b:s3+s2], $0x80, v4, vm0, $0xb8;
	[tilespmem:$0x8080] =	vst v63  }
0x4e: {  	_ = 	snop  }
0x4f: {  	[tilespmem:s19], [sflag:$0x1] =	stream.indirect_vreg.gather [hbm4b:s3+s2], $0x80, v3, vm0, $0xb8;
	[tilespmem:$0x8080] =	vst v63  }
0x50: {  	v3 =	vld [tilespmem:$0x60];
	_ =	sdelay $0x4  }
0x51: {  	v62 =	vshll.u32 v3, $0x1  }
0x52: {  	v3 =	vand.u32 $0x7, v3;
	v4 =	vand.u32 $0xFFFFFFF0, v62  }
0x53: {  	v3 =	vor.u32 v3, v4  }
0x54: {  	v4 =	vperm.xlane v3, v0;
	_ =	sdelay $0x1  }
0x55: {  	v3 =	vperm.xlane v3, v2;
	v4 =	vadd.s32 v1, v4;
	_ =	sdelay $0x1  }
0x56: {  	v3 =	vadd.s32 v1, v3;
	_ =	sdelay $0x2  }
0x57: {  	[tilespmem:s20], [sflag:$0x1] =	stream.indirect_vreg.gather [hbm4b:s3+s2], $0x80, v4, vm0, $0xb8;
	[tilespmem:$0x8080] =	vst v63  }
0x58: {  	_ = 	snop  }
0x59: {  	[tilespmem:s21], [sflag:$0x1] =	stream.indirect_vreg.gather [hbm4b:s3+s2], $0x80, v3, vm0, $0xb8;
	[tilespmem:$0x8080] =	vst v63  }
0x5a: {  	v3 =	vld [tilespmem:$0x70];
	_ =	sdelay $0x4  }
0x5b: {  	v63 =	vshll.u32 v3, $0x1  }
0x5c: {  	v3 =	vand.u32 $0x7, v3;
	v4 =	vand.u32 $0xFFFFFFF0, v63  }
0x5d: {  	v3 =	vor.u32 v3, v4  }
0x5e: {  	v4 =	vperm.xlane v3, v0;
	_ =	sdelay $0x1  }
0x5f: {  	v3 =	vperm.xlane v3, v2;
	v4 =	vadd.s32 v1, v4;
	_ =	sdelay $0x1  }
0x60: {  	v3 =	vadd.s32 v1, v3;
	_ =	sdelay $0x2  }
0x61: {  	[tilespmem:s22], [sflag:$0x1] =	stream.indirect_vreg.gather [hbm4b:s3+s2], $0x80, v4, vm0, $0xb8;
	[tilespmem:$0x8080] =	vst v63  }
0x62: {  	_ = 	snop  }
0x63: {  	[tilespmem:s23], [sflag:$0x1] =	stream.indirect_vreg.gather [hbm4b:s3+s2], $0x80, v3, vm0, $0xb8;
	[tilespmem:$0x8080] =	vst v63  }
0x64: {  	_ =	swait.ge [sflag:s24], $0x8000  }
0x65: {  	p0 =	sne.s32 s6, $0x1;
	[sflag:s24] =	ssyncset.done $0x0  }
.Ltmp0:
0x66: {  	[sflag:s24] =	ssyncadd.s32 $0xFFFF8000;
	(pc) =	sbr.rel @p0 .LBB2_1-.Ltmp0, $4  }
0x67: {  	[hbm4b:s5+s2] =	stream.linear.scatter [tilespmem:s8], [sflag:$0x2], $0x8000, $0x38;
	[tilespmem:$0x8080] =	vst v63  }
0x68: {  	_ =	swait.ge [sflag:s7], $0x8000  }
0x69: {  	[sflag:s7] =	ssyncset.done $0x0  }
0x6a: {  	s6 =	sadd.s32 $0xFFFFFFFF, s6;
	[sflag:s7] =	ssyncadd.s32 $0xFFFF8000  }
0x6b: {  	_ =	sfence.sel $0x180000  }
0x6c: {  	[bflag:$0x0] =	sbarrier.arrive $0xFFFF  }
0x6d: {  	p0 =	sne.s32 s1, $0x0;
	_ =	strace $0x90000047  }
0x6e: {  	s0 =	sadd.s32 @!p0 $0x100000, s0;
	[bflag:$0x2] =	sbarrier.arrive $0xFFFF  }
0x6f: {  	[sflag:s0] =	ssyncadd.tile.s32 @!p0 $0x1;
	_ =	shalt  }
.Lfunc_end2:
_tile_overlayer_lowered:
.L_overlay_start_2:
0x70: {  	(tag) =	ssettag $0x2  }
0x71: {  	s0 =	rddreg [dreg:$0x0];
	s2 =	stileid.u32  }
0x72: {  	s1 =	rddreg [dreg:$0x1];
	p0 =	sne.s32 s2, $0x0  }
0x73: {  	s3 =	rddreg [dreg:$0x2];
	[bflag:$0x3] =	sbarrier.arrive $0xFFFF;
	s2 =	simm.s32 @!p0 $0x1C02  }
0x74: {  	[timem:s3], [sflag:s2] =	dma.local @!p0 [hbm:s0], s1  }
0x75: {  	s0 =	simm.s32 @!p0 $0x2  }
0x76: {  	_ =	swait.ge @!p0 [sflag:s0], s1  }
0x77: {  	s1 =	ssub.s32 @!p0 $0x0, s1;
	[sflag:s0] =	ssyncset.done @!p0 $0x0  }
0x78: {  	[sflag:s0] =	ssyncadd.s32 @!p0 s1  }
0x79: {  	[bflag:$0x3] =	sbarrier.arrive $0xFFFF  }
0x7a: {  	_ =	shalt  }

</sc_bundles>
